<compile_context>
chip_gen: v7x
topology: tpu7x:2x2x1
jax: 0.10.2.dev20260603
libtpu: 0.0.44.dev20260713+nightly
codegen_flags: <defaults>
</compile_context>

<pallas_src>
import jax
import jax.numpy as jnp
from jax import lax
from jax.experimental import pallas as pl
from jax.experimental.pallas import tpu as pltpu
from jax.experimental.pallas import tpu_sc as plsc

_NUM_CORES = 2
_NUM_SUBCORES = 16
_NW = _NUM_CORES * _NUM_SUBCORES
_CHUNK = 8
_NB = 2


def _embed_body(table_hbm, ids_hbm, out_hbm, idx_v, bufs, gsems, osems):
    batch, seq = ids_hbm.shape
    b_per_w = (batch * seq) // _NW
    n_chunks = b_per_w // _CHUNK
    w_per_b = seq // b_per_w

    wid = lax.axis_index("s") * _NUM_CORES + lax.axis_index("c")
    brow = wid // w_per_b
    col0 = (wid % w_per_b) * b_per_w

    pltpu.sync_copy(ids_hbm.at[brow, pl.ds(col0, b_per_w)], idx_v)

    def start_gather(c, slot):
        pltpu.async_copy(
            table_hbm.at[idx_v.at[pl.ds(c * _CHUNK, _CHUNK)]],
            bufs[slot],
            gsems[slot],
        )

    def wait_gather(slot):
        pltpu.make_async_copy(
            table_hbm.at[idx_v.at[pl.ds(0, _CHUNK)]], bufs[slot], gsems[slot]
        ).wait()

    def start_out(c, slot):
        pltpu.async_copy(
            bufs[slot],
            out_hbm.at[brow, pl.ds(col0 + c * _CHUNK, _CHUNK)],
            osems[slot],
        )

    def wait_out(c, slot):
        pltpu.make_async_copy(
            bufs[slot],
            out_hbm.at[brow, pl.ds(col0 + c * _CHUNK, _CHUNK)],
            osems[slot],
        ).wait()

    def drain(c, slot):
        wait_gather(slot)
        start_out(c, slot)
        wait_out(c, slot)

    start_gather(0, 0)
    start_gather(1, 1)

    @pl.loop(0, n_chunks - 2, step=2)
    def _(g0):
        for b in range(2):
            c = g0 + b
            drain(c, b)
            start_gather(c + 2, b)

    drain(n_chunks - 2, 0)
    drain(n_chunks - 1, 1)


def kernel(input_ids, table):
    batch, seq = input_ids.shape
    vocab, d = table.shape
    ids = input_ids.astype(jnp.int32)

    mesh = plsc.VectorSubcoreMesh(
        core_axis_name="c",
        subcore_axis_name="s",
        num_cores=_NUM_CORES,
        num_subcores=_NUM_SUBCORES,
    )

    run = pl.kernel(
        _embed_body,
        out_type=jax.ShapeDtypeStruct((batch, seq, d), jnp.float32),
        mesh=mesh,
        scratch_types=[
            pltpu.VMEM(((batch * seq) // _NW,), jnp.int32),
            [pltpu.VMEM((_CHUNK, d), jnp.float32) for _ in range(_NB)],
            [pltpu.SemaphoreType.DMA for _ in range(_NB)],
            [pltpu.SemaphoreType.DMA for _ in range(_NB)],
        ],
    )
    return run(table, ids)

# --- scband reference (transcript-rebuilt; emitter-appended) ---
"""Pipeline reference for scband-vicuna-embedding-compiled-71373766525660 (READ-ONLY COPY).

The authoritative reference and input builder live on the scoring server;
editing this copy changes nothing except your own understanding.
"""

import jax, jax.numpy as jnp
import numpy as np

VOCAB = 32000
D_MODEL = 4096
BATCH = 4
SEQ = 2048

def setup_inputs(seed: int = 0) -> dict:
    key = jax.random.key(seed)
    k_ids, k_tab = jax.random.split(key)
    input_ids = jax.random.randint(k_ids, (BATCH, SEQ), 0, VOCAB, dtype=jnp.int64 if jax.config.jax_enable_x64 else jnp.int32)
    table = jax.random.normal(k_tab, (VOCAB, D_MODEL), dtype=jnp.float32) * 0.02
    return {"input_ids": input_ids, "table": table}

def reference(input_ids, table):
    # Faithful translation of VicunaEmbeddingCompiled.forward: the wrapped
    # shark_module performs the token-embedding lookup; input_ids.detach()
    # is a no-op for values, and torch.tensor(output) just materializes it.
    out = jnp.take(table, input_ids, axis=0)  # [B, S, D]
    return out

if __name__ == "__main__":
    import jax
    _d = setup_inputs()
    print(jax.jit(kernel)(*tuple(_d.values())))

</pallas_src>

<mosaic_0001>
#map = affine_map<(d0, d1) -> (0, 0)>
#map1 = affine_map<(d0, d1) -> (0, 0, 0)>
module attributes {stable_mosaic.version = 14 : i64} {
  func.func @_embed_body(%arg0: i32, %arg1: i32, %arg2: memref<32000x4096xf32, #tpu.memory_space<hbm>>, %arg3: memref<4x2048xi32, #tpu.memory_space<hbm>>, %arg4: memref<4x2048x4096xf32, #tpu.memory_space<hbm>>, %arg5: memref<256xi32, #tpu.memory_space<vmem>>, %arg6: memref<8x4096xf32, #tpu.memory_space<vmem>>, %arg7: memref<8x4096xf32, #tpu.memory_space<vmem>>, %arg8: memref<!tpu.dma_semaphore, #tpu.memory_space<semaphore_mem>>, %arg9: memref<!tpu.dma_semaphore, #tpu.memory_space<semaphore_mem>>, %arg10: memref<!tpu.dma_semaphore, #tpu.memory_space<semaphore_mem>>, %arg11: memref<!tpu.dma_semaphore, #tpu.memory_space<semaphore_mem>>) attributes {dimension_semantics = [#tpu.dimension_semantics<core_parallel>, #tpu.dimension_semantics<subcore_parallel>], iteration_bounds = array<i64: 2, 16>, scalar_prefetch = 0 : i64, scratch_operands = 7 : i64, tpu.core_type = #tpu.core_type<sc_vector_subcore>, window_params = [{transform_indices = #map}, {transform_indices = #map}, {transform_indices = #map1}]} {
    %mul3A = arith.constant 2 : i32
    %mul3A_0 = arith.muli %arg1, %mul3A : i32
    %add3A = arith.addi %mul3A_0, %arg0 : i32
    %jit3A = arith.constant 8 : i32
    %div3A = arith.divsi %add3A, %jit3A : i32
    %sign3A = arith.constant 0 : i32
    %sign3A_1 = arith.cmpi sgt, %add3A, %sign3A : i32
    %sign3A_2 = arith.extui %sign3A_1 : i1 to i32
    %sign3A_3 = arith.constant 0 : i32
    %sign3A_4 = arith.cmpi slt, %add3A, %sign3A_3 : i32
    %sign3A_5 = arith.extui %sign3A_4 : i1 to i32
    %sign3A_6 = arith.subi %sign3A_2, %sign3A_5 : i32
    %sign3A_7 = arith.constant 0 : i32
    %sign3A_8 = arith.cmpi sgt, %jit3A, %sign3A_7 : i32
    %sign3A_9 = arith.extui %sign3A_8 : i1 to i32
    %sign3A_10 = arith.constant 0 : i32
    %sign3A_11 = arith.cmpi slt, %jit3A, %sign3A_10 : i32
    %sign3A_12 = arith.extui %sign3A_11 : i1 to i32
    %sign3A_13 = arith.subi %sign3A_9, %sign3A_12 : i32
    %ne3A = arith.cmpi ne, %sign3A_6, %sign3A_13 : i32
    %rem3A = arith.remsi %add3A, %jit3A : i32
    %ne3A_14 = arith.constant 0 : i32
    %ne3A_15 = arith.cmpi ne, %rem3A, %ne3A_14 : i32
    %and3A = arith.andi %ne3A, %ne3A_15 : i1
    %sub3A = arith.constant 1 : i32
    %sub3A_16 = arith.subi %div3A, %sub3A : i32
    %select_n3A = arith.select %and3A, %sub3A_16, %div3A : i32
    %jit3A_17 = arith.constant 8 : i32
    %eq3A = arith.constant 0 : i32
    %eq3A_18 = arith.cmpi eq, %jit3A_17, %eq3A : i32
    %jit3A_19 = arith.constant 1 : i32
    %select_n3A_20 = arith.select %eq3A_18, %jit3A_19, %jit3A_17 : i32
    %rem3A_21 = arith.remsi %add3A, %select_n3A_20 : i32
    %ne3A_22 = arith.constant 0 : i32
    %ne3A_23 = arith.cmpi ne, %rem3A_21, %ne3A_22 : i32
    %lt3A = arith.constant 0 : i32
    %lt3A_24 = arith.cmpi slt, %rem3A_21, %lt3A : i32
    %lt3A_25 = arith.constant 0 : i32
    %lt3A_26 = arith.cmpi slt, %select_n3A_20, %lt3A_25 : i32
    %ne3A_27 = arith.xori %lt3A_24, %lt3A_26 : i1
    %and3A_28 = arith.andi %ne3A_27, %ne3A_23 : i1
    %add3A_29 = arith.addi %rem3A_21, %select_n3A_20 : i32
    %select_n3A_30 = arith.select %and3A_28, %add3A_29, %rem3A_21 : i32
    %mul3A_31 = arith.constant 256 : i32
    %mul3A_32 = arith.muli %select_n3A_30, %mul3A_31 : i32
    "tpu.region"() ({
      %run_scoped3A = tpu.sem_alloc : memref<!tpu.dma_semaphore, #tpu.memory_space<semaphore_mem>>
      %dma_start3A_87 = tpu.memref_slice %arg3[%select_n3A, %mul3A_32] : memref<4x2048xi32, #tpu.memory_space<hbm>> -> memref<1x256xi32, #tpu.memory_space<hbm>>
      %dma_start3A_88 = tpu.memref_squeeze %dma_start3A_87 : memref<1x256xi32, #tpu.memory_space<hbm>> -> memref<256xi32, #tpu.memory_space<hbm>>
      %dma_start3A_89 = tpu.memref_slice %arg3[%select_n3A, %mul3A_32] : memref<4x2048xi32, #tpu.memory_space<hbm>> -> memref<1x256xi32, #tpu.memory_space<hbm>>
      %dma_start3A_90 = tpu.memref_squeeze %dma_start3A_89 : memref<1x256xi32, #tpu.memory_space<hbm>> -> memref<256xi32, #tpu.memory_space<hbm>>
      tpu.enqueue_dma source(%dma_start3A_90 : memref<256xi32, #tpu.memory_space<hbm>>) target(%arg5 : memref<256xi32, #tpu.memory_space<vmem>>) target_semaphore(%run_scoped3A : memref<!tpu.dma_semaphore, #tpu.memory_space<semaphore_mem>>)
      %dma_wait3A_91 = tpu.memref_slice %arg3[%select_n3A, %mul3A_32] : memref<4x2048xi32, #tpu.memory_space<hbm>> -> memref<1x256xi32, #tpu.memory_space<hbm>>
      %dma_wait3A_92 = tpu.memref_squeeze %dma_wait3A_91 : memref<1x256xi32, #tpu.memory_space<hbm>> -> memref<256xi32, #tpu.memory_space<hbm>>
      %dma_wait3A_93 = tpu.memref_slice %arg3[%select_n3A, %mul3A_32] : memref<4x2048xi32, #tpu.memory_space<hbm>> -> memref<1x256xi32, #tpu.memory_space<hbm>>
      %dma_wait3A_94 = tpu.memref_squeeze %dma_wait3A_93 : memref<1x256xi32, #tpu.memory_space<hbm>> -> memref<256xi32, #tpu.memory_space<hbm>>
      tpu.wait_dma2 semaphore(%run_scoped3A : memref<!tpu.dma_semaphore, #tpu.memory_space<semaphore_mem>>) src(%dma_wait3A_94 : memref<256xi32, #tpu.memory_space<hbm>>) dst(%arg5 : memref<256xi32, #tpu.memory_space<vmem>>)
      tpu.yield
    }) : () -> ()
    %dma_start3A = arith.constant 0 : i32
    %dma_start3A_33 = tpu.memref_slice %arg5[%dma_start3A] : memref<256xi32, #tpu.memory_space<vmem>> -> memref<8xi32, #tpu.memory_space<vmem>>
    %dma_start3A_34 = arith.constant 0 : i32
    %dma_start3A_35 = arith.constant 0 : i32
    %dma_start3A_36 = tpu.memref_slice %arg2[%dma_start3A_34, %dma_start3A_35] : memref<32000x4096xf32, #tpu.memory_space<hbm>> -> memref<32000x4096xf32, #tpu.memory_space<hbm>>
    tpu.enqueue_indirect_dma source(%dma_start3A_36 : memref<32000x4096xf32, #tpu.memory_space<hbm>>) target(%arg6 : memref<8x4096xf32, #tpu.memory_space<vmem>>) offsets(%dma_start3A_33 : memref<8xi32, #tpu.memory_space<vmem>>) semaphore(%arg8 : memref<!tpu.dma_semaphore, #tpu.memory_space<semaphore_mem>>)
    %dma_start3A_37 = arith.constant 8 : i32
    %dma_start3A_38 = tpu.memref_slice %arg5[%dma_start3A_37] : memref<256xi32, #tpu.memory_space<vmem>> -> memref<8xi32, #tpu.memory_space<vmem>>
    %dma_start3A_39 = arith.constant 0 : i32
    %dma_start3A_40 = arith.constant 0 : i32
    %dma_start3A_41 = tpu.memref_slice %arg2[%dma_start3A_39, %dma_start3A_40] : memref<32000x4096xf32, #tpu.memory_space<hbm>> -> memref<32000x4096xf32, #tpu.memory_space<hbm>>
    tpu.enqueue_indirect_dma source(%dma_start3A_41 : memref<32000x4096xf32, #tpu.memory_space<hbm>>) target(%arg7 : memref<8x4096xf32, #tpu.memory_space<vmem>>) offsets(%dma_start3A_38 : memref<8xi32, #tpu.memory_space<vmem>>) semaphore(%arg9 : memref<!tpu.dma_semaphore, #tpu.memory_space<semaphore_mem>>)
    %scan3A = arith.constant 0 : i32
    %scan3A_42 = arith.constant 15 : i32
    %scan3A_43 = arith.addi %scan3A, %scan3A_42 : i32
    %scan3A_44 = arith.constant 1 : i32
    scf.for %scan3A_87 = %scan3A to %scan3A_43 step %scan3A_44  : i32 {
      %mul3A_88 = arith.constant 2 : i32
      %mul3A_89 = arith.muli %scan3A_87, %mul3A_88 : i32
      %add3A_90 = arith.constant 0 : i32
      %add3A_91 = arith.addi %add3A_90, %mul3A_89 : i32
      %add3A_92 = arith.constant 0 : i32
      %add3A_93 = arith.addi %add3A_91, %add3A_92 : i32
      %dma_wait3A_94 = arith.constant 0 : i32
      %dma_wait3A_95 = tpu.memref_slice %arg5[%dma_wait3A_94] : memref<256xi32, #tpu.memory_space<vmem>> -> memref<8xi32, #tpu.memory_space<vmem>>
      %dma_wait3A_96 = arith.constant 0 : i32
      %dma_wait3A_97 = arith.constant 0 : i32
      %dma_wait3A_98 = tpu.memref_slice %arg2[%dma_wait3A_96, %dma_wait3A_97] : memref<32000x4096xf32, #tpu.memory_space<hbm>> -> memref<32000x4096xf32, #tpu.memory_space<hbm>>
      tpu.wait_indirect_dma semaphore(%arg8 : memref<!tpu.dma_semaphore, #tpu.memory_space<semaphore_mem>>) src(%dma_wait3A_98 : memref<32000x4096xf32, #tpu.memory_space<hbm>>) dst(%arg6 : memref<8x4096xf32, #tpu.memory_space<vmem>>)
      %mul3A_99 = arith.constant 8 : i32
      %mul3A_100 = arith.muli %add3A_93, %mul3A_99 : i32
      %add3A_101 = arith.addi %mul3A_32, %mul3A_100 : i32
      %dma_start3A_102 = arith.constant 0 : i32
      %dma_start3A_103 = tpu.memref_slice %arg4[%select_n3A, %add3A_101, %dma_start3A_102] : memref<4x2048x4096xf32, #tpu.memory_space<hbm>> -> memref<1x8x4096xf32, #tpu.memory_space<hbm>>
      %dma_start3A_104 = tpu.memref_squeeze %dma_start3A_103 : memref<1x8x4096xf32, #tpu.memory_space<hbm>> -> memref<8x4096xf32, #tpu.memory_space<hbm>>
      %dma_start3A_105 = arith.constant 0 : i32
      %dma_start3A_106 = tpu.memref_slice %arg4[%select_n3A, %add3A_101, %dma_start3A_105] : memref<4x2048x4096xf32, #tpu.memory_space<hbm>> -> memref<1x8x4096xf32, #tpu.memory_space<hbm>>
      %dma_start3A_107 = tpu.memref_squeeze %dma_start3A_106 : memref<1x8x4096xf32, #tpu.memory_space<hbm>> -> memref<8x4096xf32, #tpu.memory_space<hbm>>
      tpu.enqueue_dma source(%arg6 : memref<8x4096xf32, #tpu.memory_space<vmem>>) target(%dma_start3A_107 : memref<8x4096xf32, #tpu.memory_space<hbm>>) target_semaphore(%arg10 : memref<!tpu.dma_semaphore, #tpu.memory_space<semaphore_mem>>)
      %mul3A_108 = arith.constant 8 : i32
      %mul3A_109 = arith.muli %add3A_93, %mul3A_108 : i32
      %add3A_110 = arith.addi %mul3A_32, %mul3A_109 : i32
      %dma_wait3A_111 = arith.constant 0 : i32
      %dma_wait3A_112 = tpu.memref_slice %arg4[%select_n3A, %add3A_110, %dma_wait3A_111] : memref<4x2048x4096xf32, #tpu.memory_space<hbm>> -> memref<1x8x4096xf32, #tpu.memory_space<hbm>>
      %dma_wait3A_113 = tpu.memref_squeeze %dma_wait3A_112 : memref<1x8x4096xf32, #tpu.memory_space<hbm>> -> memref<8x4096xf32, #tpu.memory_space<hbm>>
      %dma_wait3A_114 = arith.constant 0 : i32
      %dma_wait3A_115 = tpu.memref_slice %arg4[%select_n3A, %add3A_110, %dma_wait3A_114] : memref<4x2048x4096xf32, #tpu.memory_space<hbm>> -> memref<1x8x4096xf32, #tpu.memory_space<hbm>>
      %dma_wait3A_116 = tpu.memref_squeeze %dma_wait3A_115 : memref<1x8x4096xf32, #tpu.memory_space<hbm>> -> memref<8x4096xf32, #tpu.memory_space<hbm>>
      tpu.wait_dma2 semaphore(%arg10 : memref<!tpu.dma_semaphore, #tpu.memory_space<semaphore_mem>>) src(%arg6 : memref<8x4096xf32, #tpu.memory_space<vmem>>) dst(%dma_wait3A_116 : memref<8x4096xf32, #tpu.memory_space<hbm>>)
      %add3A_117 = arith.constant 2 : i32
      %add3A_118 = arith.addi %add3A_93, %add3A_117 : i32
      %mul3A_119 = arith.constant 8 : i32
      %mul3A_120 = arith.muli %add3A_118, %mul3A_119 : i32
      %dma_start3A_121 = tpu.memref_slice %arg5[%mul3A_120] : memref<256xi32, #tpu.memory_space<vmem>> -> memref<8xi32, #tpu.memory_space<vmem>>
      %dma_start3A_122 = arith.constant 0 : i32
      %dma_start3A_123 = arith.constant 0 : i32
      %dma_start3A_124 = tpu.memref_slice %arg2[%dma_start3A_122, %dma_start3A_123] : memref<32000x4096xf32, #tpu.memory_space<hbm>> -> memref<32000x4096xf32, #tpu.memory_space<hbm>>
      tpu.enqueue_indirect_dma source(%dma_start3A_124 : memref<32000x4096xf32, #tpu.memory_space<hbm>>) target(%arg6 : memref<8x4096xf32, #tpu.memory_space<vmem>>) offsets(%dma_start3A_121 : memref<8xi32, #tpu.memory_space<vmem>>) semaphore(%arg8 : memref<!tpu.dma_semaphore, #tpu.memory_space<semaphore_mem>>)
      %add3A_125 = arith.constant 1 : i32
      %add3A_126 = arith.addi %add3A_91, %add3A_125 : i32
      %dma_wait3A_127 = arith.constant 0 : i32
      %dma_wait3A_128 = tpu.memref_slice %arg5[%dma_wait3A_127] : memref<256xi32, #tpu.memory_space<vmem>> -> memref<8xi32, #tpu.memory_space<vmem>>
      %dma_wait3A_129 = arith.constant 0 : i32
      %dma_wait3A_130 = arith.constant 0 : i32
      %dma_wait3A_131 = tpu.memref_slice %arg2[%dma_wait3A_129, %dma_wait3A_130] : memref<32000x4096xf32, #tpu.memory_space<hbm>> -> memref<32000x4096xf32, #tpu.memory_space<hbm>>
      tpu.wait_indirect_dma semaphore(%arg9 : memref<!tpu.dma_semaphore, #tpu.memory_space<semaphore_mem>>) src(%dma_wait3A_131 : memref<32000x4096xf32, #tpu.memory_space<hbm>>) dst(%arg7 : memref<8x4096xf32, #tpu.memory_space<vmem>>)
      %mul3A_132 = arith.constant 8 : i32
      %mul3A_133 = arith.muli %add3A_126, %mul3A_132 : i32
      %add3A_134 = arith.addi %mul3A_32, %mul3A_133 : i32
      %dma_start3A_135 = arith.constant 0 : i32
      %dma_start3A_136 = tpu.memref_slice %arg4[%select_n3A, %add3A_134, %dma_start3A_135] : memref<4x2048x4096xf32, #tpu.memory_space<hbm>> -> memref<1x8x4096xf32, #tpu.memory_space<hbm>>
      %dma_start3A_137 = tpu.memref_squeeze %dma_start3A_136 : memref<1x8x4096xf32, #tpu.memory_space<hbm>> -> memref<8x4096xf32, #tpu.memory_space<hbm>>
      %dma_start3A_138 = arith.constant 0 : i32
      %dma_start3A_139 = tpu.memref_slice %arg4[%select_n3A, %add3A_134, %dma_start3A_138] : memref<4x2048x4096xf32, #tpu.memory_space<hbm>> -> memref<1x8x4096xf32, #tpu.memory_space<hbm>>
      %dma_start3A_140 = tpu.memref_squeeze %dma_start3A_139 : memref<1x8x4096xf32, #tpu.memory_space<hbm>> -> memref<8x4096xf32, #tpu.memory_space<hbm>>
      tpu.enqueue_dma source(%arg7 : memref<8x4096xf32, #tpu.memory_space<vmem>>) target(%dma_start3A_140 : memref<8x4096xf32, #tpu.memory_space<hbm>>) target_semaphore(%arg11 : memref<!tpu.dma_semaphore, #tpu.memory_space<semaphore_mem>>)
      %mul3A_141 = arith.constant 8 : i32
      %mul3A_142 = arith.muli %add3A_126, %mul3A_141 : i32
      %add3A_143 = arith.addi %mul3A_32, %mul3A_142 : i32
      %dma_wait3A_144 = arith.constant 0 : i32
      %dma_wait3A_145 = tpu.memref_slice %arg4[%select_n3A, %add3A_143, %dma_wait3A_144] : memref<4x2048x4096xf32, #tpu.memory_space<hbm>> -> memref<1x8x4096xf32, #tpu.memory_space<hbm>>
      %dma_wait3A_146 = tpu.memref_squeeze %dma_wait3A_145 : memref<1x8x4096xf32, #tpu.memory_space<hbm>> -> memref<8x4096xf32, #tpu.memory_space<hbm>>
      %dma_wait3A_147 = arith.constant 0 : i32
      %dma_wait3A_148 = tpu.memref_slice %arg4[%select_n3A, %add3A_143, %dma_wait3A_147] : memref<4x2048x4096xf32, #tpu.memory_space<hbm>> -> memref<1x8x4096xf32, #tpu.memory_space<hbm>>
      %dma_wait3A_149 = tpu.memref_squeeze %dma_wait3A_148 : memref<1x8x4096xf32, #tpu.memory_space<hbm>> -> memref<8x4096xf32, #tpu.memory_space<hbm>>
      tpu.wait_dma2 semaphore(%arg11 : memref<!tpu.dma_semaphore, #tpu.memory_space<semaphore_mem>>) src(%arg7 : memref<8x4096xf32, #tpu.memory_space<vmem>>) dst(%dma_wait3A_149 : memref<8x4096xf32, #tpu.memory_space<hbm>>)
      %add3A_150 = arith.constant 2 : i32
      %add3A_151 = arith.addi %add3A_126, %add3A_150 : i32
      %mul3A_152 = arith.constant 8 : i32
      %mul3A_153 = arith.muli %add3A_151, %mul3A_152 : i32
      %dma_start3A_154 = tpu.memref_slice %arg5[%mul3A_153] : memref<256xi32, #tpu.memory_space<vmem>> -> memref<8xi32, #tpu.memory_space<vmem>>
      %dma_start3A_155 = arith.constant 0 : i32
      %dma_start3A_156 = arith.constant 0 : i32
      %dma_start3A_157 = tpu.memref_slice %arg2[%dma_start3A_155, %dma_start3A_156] : memref<32000x4096xf32, #tpu.memory_space<hbm>> -> memref<32000x4096xf32, #tpu.memory_space<hbm>>
      tpu.enqueue_indirect_dma source(%dma_start3A_157 : memref<32000x4096xf32, #tpu.memory_space<hbm>>) target(%arg7 : memref<8x4096xf32, #tpu.memory_space<vmem>>) offsets(%dma_start3A_154 : memref<8xi32, #tpu.memory_space<vmem>>) semaphore(%arg9 : memref<!tpu.dma_semaphore, #tpu.memory_space<semaphore_mem>>)
    }
    %scan3A_45 = arith.constant 15 : i32
    %dma_wait3A = arith.constant 0 : i32
    %dma_wait3A_46 = tpu.memref_slice %arg5[%dma_wait3A] : memref<256xi32, #tpu.memory_space<vmem>> -> memref<8xi32, #tpu.memory_space<vmem>>
    %dma_wait3A_47 = arith.constant 0 : i32
    %dma_wait3A_48 = arith.constant 0 : i32
    %dma_wait3A_49 = tpu.memref_slice %arg2[%dma_wait3A_47, %dma_wait3A_48] : memref<32000x4096xf32, #tpu.memory_space<hbm>> -> memref<32000x4096xf32, #tpu.memory_space<hbm>>
    tpu.wait_indirect_dma semaphore(%arg8 : memref<!tpu.dma_semaphore, #tpu.memory_space<semaphore_mem>>) src(%dma_wait3A_49 : memref<32000x4096xf32, #tpu.memory_space<hbm>>) dst(%arg6 : memref<8x4096xf32, #tpu.memory_space<vmem>>)
    %add3A_50 = arith.constant 240 : i32
    %add3A_51 = arith.addi %mul3A_32, %add3A_50 : i32
    %dma_start3A_52 = arith.constant 0 : i32
    %dma_start3A_53 = tpu.memref_slice %arg4[%select_n3A, %add3A_51, %dma_start3A_52] : memref<4x2048x4096xf32, #tpu.memory_space<hbm>> -> memref<1x8x4096xf32, #tpu.memory_space<hbm>>
    %dma_start3A_54 = tpu.memref_squeeze %dma_start3A_53 : memref<1x8x4096xf32, #tpu.memory_space<hbm>> -> memref<8x4096xf32, #tpu.memory_space<hbm>>
    %dma_start3A_55 = arith.constant 0 : i32
    %dma_start3A_56 = tpu.memref_slice %arg4[%select_n3A, %add3A_51, %dma_start3A_55] : memref<4x2048x4096xf32, #tpu.memory_space<hbm>> -> memref<1x8x4096xf32, #tpu.memory_space<hbm>>
    %dma_start3A_57 = tpu.memref_squeeze %dma_start3A_56 : memref<1x8x4096xf32, #tpu.memory_space<hbm>> -> memref<8x4096xf32, #tpu.memory_space<hbm>>
    tpu.enqueue_dma source(%arg6 : memref<8x4096xf32, #tpu.memory_space<vmem>>) target(%dma_start3A_57 : memref<8x4096xf32, #tpu.memory_space<hbm>>) target_semaphore(%arg10 : memref<!tpu.dma_semaphore, #tpu.memory_space<semaphore_mem>>)
    %add3A_58 = arith.constant 240 : i32
    %add3A_59 = arith.addi %mul3A_32, %add3A_58 : i32
    %dma_wait3A_60 = arith.constant 0 : i32
    %dma_wait3A_61 = tpu.memref_slice %arg4[%select_n3A, %add3A_59, %dma_wait3A_60] : memref<4x2048x4096xf32, #tpu.memory_space<hbm>> -> memref<1x8x4096xf32, #tpu.memory_space<hbm>>
    %dma_wait3A_62 = tpu.memref_squeeze %dma_wait3A_61 : memref<1x8x4096xf32, #tpu.memory_space<hbm>> -> memref<8x4096xf32, #tpu.memory_space<hbm>>
    %dma_wait3A_63 = arith.constant 0 : i32
    %dma_wait3A_64 = tpu.memref_slice %arg4[%select_n3A, %add3A_59, %dma_wait3A_63] : memref<4x2048x4096xf32, #tpu.memory_space<hbm>> -> memref<1x8x4096xf32, #tpu.memory_space<hbm>>
    %dma_wait3A_65 = tpu.memref_squeeze %dma_wait3A_64 : memref<1x8x4096xf32, #tpu.memory_space<hbm>> -> memref<8x4096xf32, #tpu.memory_space<hbm>>
    tpu.wait_dma2 semaphore(%arg10 : memref<!tpu.dma_semaphore, #tpu.memory_space<semaphore_mem>>) src(%arg6 : memref<8x4096xf32, #tpu.memory_space<vmem>>) dst(%dma_wait3A_65 : memref<8x4096xf32, #tpu.memory_space<hbm>>)
    %dma_wait3A_66 = arith.constant 0 : i32
    %dma_wait3A_67 = tpu.memref_slice %arg5[%dma_wait3A_66] : memref<256xi32, #tpu.memory_space<vmem>> -> memref<8xi32, #tpu.memory_space<vmem>>
    %dma_wait3A_68 = arith.constant 0 : i32
    %dma_wait3A_69 = arith.constant 0 : i32
    %dma_wait3A_70 = tpu.memref_slice %arg2[%dma_wait3A_68, %dma_wait3A_69] : memref<32000x4096xf32, #tpu.memory_space<hbm>> -> memref<32000x4096xf32, #tpu.memory_space<hbm>>
    tpu.wait_indirect_dma semaphore(%arg9 : memref<!tpu.dma_semaphore, #tpu.memory_space<semaphore_mem>>) src(%dma_wait3A_70 : memref<32000x4096xf32, #tpu.memory_space<hbm>>) dst(%arg7 : memref<8x4096xf32, #tpu.memory_space<vmem>>)
    %add3A_71 = arith.constant 248 : i32
    %add3A_72 = arith.addi %mul3A_32, %add3A_71 : i32
    %dma_start3A_73 = arith.constant 0 : i32
    %dma_start3A_74 = tpu.memref_slice %arg4[%select_n3A, %add3A_72, %dma_start3A_73] : memref<4x2048x4096xf32, #tpu.memory_space<hbm>> -> memref<1x8x4096xf32, #tpu.memory_space<hbm>>
    %dma_start3A_75 = tpu.memref_squeeze %dma_start3A_74 : memref<1x8x4096xf32, #tpu.memory_space<hbm>> -> memref<8x4096xf32, #tpu.memory_space<hbm>>
    %dma_start3A_76 = arith.constant 0 : i32
    %dma_start3A_77 = tpu.memref_slice %arg4[%select_n3A, %add3A_72, %dma_start3A_76] : memref<4x2048x4096xf32, #tpu.memory_space<hbm>> -> memref<1x8x4096xf32, #tpu.memory_space<hbm>>
    %dma_start3A_78 = tpu.memref_squeeze %dma_start3A_77 : memref<1x8x4096xf32, #tpu.memory_space<hbm>> -> memref<8x4096xf32, #tpu.memory_space<hbm>>
    tpu.enqueue_dma source(%arg7 : memref<8x4096xf32, #tpu.memory_space<vmem>>) target(%dma_start3A_78 : memref<8x4096xf32, #tpu.memory_space<hbm>>) target_semaphore(%arg11 : memref<!tpu.dma_semaphore, #tpu.memory_space<semaphore_mem>>)
    %add3A_79 = arith.constant 248 : i32
    %add3A_80 = arith.addi %mul3A_32, %add3A_79 : i32
    %dma_wait3A_81 = arith.constant 0 : i32
    %dma_wait3A_82 = tpu.memref_slice %arg4[%select_n3A, %add3A_80, %dma_wait3A_81] : memref<4x2048x4096xf32, #tpu.memory_space<hbm>> -> memref<1x8x4096xf32, #tpu.memory_space<hbm>>
    %dma_wait3A_83 = tpu.memref_squeeze %dma_wait3A_82 : memref<1x8x4096xf32, #tpu.memory_space<hbm>> -> memref<8x4096xf32, #tpu.memory_space<hbm>>
    %dma_wait3A_84 = arith.constant 0 : i32
    %dma_wait3A_85 = tpu.memref_slice %arg4[%select_n3A, %add3A_80, %dma_wait3A_84] : memref<4x2048x4096xf32, #tpu.memory_space<hbm>> -> memref<1x8x4096xf32, #tpu.memory_space<hbm>>
    %dma_wait3A_86 = tpu.memref_squeeze %dma_wait3A_85 : memref<1x8x4096xf32, #tpu.memory_space<hbm>> -> memref<8x4096xf32, #tpu.memory_space<hbm>>
    tpu.wait_dma2 semaphore(%arg11 : memref<!tpu.dma_semaphore, #tpu.memory_space<semaphore_mem>>) src(%arg7 : memref<8x4096xf32, #tpu.memory_space<vmem>>) dst(%dma_wait3A_86 : memref<8x4096xf32, #tpu.memory_space<hbm>>)
    return
  }
}

</mosaic_0001>

<sc_bundles>
// kernel: kernel.3.cloned.1.call-start
scs
__scs_entry_jumppad:
0x0: {  	(pc) =	sbr.rel $0x88, $3  }
0x1: {  	(tag) =	ssettag $0x0;
	lr =	simm.s32 $0x1  }
0x2: {  	[smem:$0x3F9F] =	sst lr;
	_ =	strace $0xD0000000  }
0x3: {  	_ = 	snop  }
0x4: {  	_ = 	snop  }
0x5: {  	_ = 	snop  }
0x6: {  	_ = 	snop  }
0x7: {  	_ = 	snop  }
__scs_overlays_trampoline_lowered:
0x8: {  	[smem:$0x3FAE] =	sst s0  }
0x9: {  	[smem:$0x3FAF] =	sst s1  }
0xa: {  	[smem:$0x3FB0] =	sst s2  }
0xb: {  	[smem:$0x3FB1] =	sst s3  }
0xc: {  	[smem:$0x3FB2] =	sst s4  }
0xd: {  	[smem:$0x3FB3] =	sst s5  }
0xe: {  	[smem:$0x3FB4] =	sst s6  }
0xf: {  	[smem:$0x3FB5] =	sst s7  }
0x10: {  	[smem:$0x3FB6] =	sst s8  }
0x11: {  	[smem:$0x3FB7] =	sst s9;
	s0 =	simm.s32 @!p0 $0x0  }
0x12: {  	s1 =	sld [smem:$0x3F9D];
	s0 =	simm.s32 @p0 $0x1  }
0x13: {  	[smem:$0x3FB8] =	sst s0;
	s0 =	simm.s32 @!p1 $0x0  }
0x14: {  	s2 =	sld [smem:$0x3F9C];
	s0 =	simm.s32 @p1 $0x1  }
0x15: {  	[smem:$0x3FB9] =	sst s0;
	s0 =	simm.s32 @!p2 $0x0  }
0x16: {  	s3 =	sld [smem:$0x3FDB];
	s0 =	simm.s32 @p2 $0x1  }
0x17: {  	s4 =	simm.s32 $0x1BF5;
	[smem:$0x3FBB] =	sst s0  }
0x18: {  	s0 =	sld [smem:$0x3F9E];
	_ =	swait.ge [sflag:s4], $0x0  }
0x19: {  	s7 =	sld [smem:$0x3F9F]  }
0x1a: {  	s8 =	sadd.s32 $0xFFFFE003, lr  }
0x1b: {  	s9 =	sadd.s32 $0xFFFFFEF7, lr;
	s5 =	simm.s32 $0xFFFFFFFF;
	p2 =	slt.u32 s8, $0xFFFFF086  }
0x1c: {  	p1 =	slt.u32 s9, $0xF7A;
	s5 =	simm.s32 @!p2 $0x0  }
0x1d: {  	s5 =	simm.s32 @p1 $0x1;
	p0 =	seq.s32 s7, s2  }
0x1e: {  	s7 =	smul.u32 @!p0 $0xF7A, s2;
	p2 =	seq.s32 @!p0 s5, $0x0  }
0x1f: {  	s9 =	smul.u32 $0xF7A, s1;
	s8 =	simm.s32 @!p0 $0x1BF5;
	p2 =	por !p2, p0  }
0x20: {  	[sflag:s8] =	ssyncset.s32 @!p0 $0xFFFFF086;
	s6 =	sadd.s32 @!p0 s3, s7;
	s7 =	simm.s32 @!p0 $0x108  }
0x21: {  	s3 =	sadd.s32 s3, s9;
	s6 =	sadd.s32 @!p0 $0x88, s6;
	s7 =	simm.s32 @p2 $0x1082  }
0x22: {  	[simem:s7], [sflag:s8] =	dma.local @!p0 [hbm:s6], $0xF7A  }
0x23: {  	s9 =	sor.u32 $0xD0000000, s2;
	s6 =	simm.s32 $0x108;
	_ =	swait.ge @!p0 [sflag:s8], $0x0  }
0x24: {  	s3 =	sadd.s32 $0x88, s3;
	s6 =	simm.s32 @!p1 $0x1082;
	[sflag:s4] =	ssyncset.s32 $0xFFFFF086  }
0x25: {  	[simem:s6], [sflag:s4] =	dma.local [hbm:s3], $0xF7A  }
0x26: {  	[smem:$0x3F9F] =	sst s1;
	(tag) =	ssettag s2;
	_ =	strace s9  }
0x27: {  	s1 =	sld [smem:$0x3FAF]  }
0x28: {  	s2 =	sld [smem:$0x3FB0]  }
0x29: {  	s4 =	sld [smem:$0x3FB2]  }
0x2a: {  	p0 =	seq.s32 s5, $0x0;
	s5 =	sld [smem:$0x3FB3]  }
0x2b: {  	s6 =	sld [smem:$0x3FB4]  }
0x2c: {  	s7 =	sld [smem:$0x3FB5]  }
0x2d: {  	s3 =	simm.s32 $0x108;
	s8 =	sld [smem:$0x3FB6]  }
0x2e: {  	s3 =	simm.s32 @!p0 $0x1082;
	s9 =	sld [smem:$0x3FB7]  }
0x2f: {  	lr =	sadd.s32 s0, s3;
	s0 =	sld [smem:$0x3FAE]  }
0x30: {  	s3 =	sld [smem:$0x3FB1]  }
0x31: {  	[smem:$0x3FBA] =	sst s10  }
0x32: {  	s10 =	sld [smem:$0x3FB8];
	_ =	sdelay $0x3  }
0x33: {  	p0 =	seq.s32 s10, $0x1;
	s10 =	sld [smem:$0x3FBA];
	_ =	sdelay $0x3  }
0x34: {  	[smem:$0x3FBA] =	sst s10  }
0x35: {  	s10 =	sld [smem:$0x3FB9];
	_ =	sdelay $0x3  }
0x36: {  	p1 =	seq.s32 s10, $0x1;
	s10 =	sld [smem:$0x3FBA];
	_ =	sdelay $0x3  }
0x37: {  	[smem:$0x3FBA] =	sst s10  }
0x38: {  	s10 =	sld [smem:$0x3FBB]  }
0x39: {  	_ = 	snop;
	(pc) =	sbr.ind lr, $3  }
0x3a: {  	_ = 	snop  }
0x3b: {  	_ = 	snop  }
0x3c: {  	p2 =	seq.s32 s10, $0x1;
	s10 =	sld [smem:$0x3FBA]  }
0x3d: {  	_ =	shalt  }
0x3e: {  	_ =	shalt  }
0x3f: {  	_ =	shalt  }
0x40: {  	_ =	shalt  }
0x41: {  	_ =	shalt  }
0x42: {  	_ =	shalt  }
0x43: {  	_ =	shalt  }
0x44: {  	_ =	shalt  }
0x45: {  	_ =	shalt  }
0x46: {  	_ =	shalt  }
0x47: {  	_ =	shalt  }
0x48: {  	_ =	shalt  }
0x49: {  	_ =	shalt  }
0x4a: {  	_ =	shalt  }
0x4b: {  	_ =	shalt  }
0x4c: {  	_ =	shalt  }
0x4d: {  	_ =	shalt  }
0x4e: {  	_ =	shalt  }
0x4f: {  	_ =	shalt  }
0x50: {  	_ =	shalt  }
0x51: {  	_ =	shalt  }
0x52: {  	_ =	shalt  }
0x53: {  	_ =	shalt  }
0x54: {  	_ =	shalt  }
0x55: {  	_ =	shalt  }
0x56: {  	_ =	shalt  }
0x57: {  	_ =	shalt  }
0x58: {  	_ =	shalt  }
0x59: {  	_ =	shalt  }
0x5a: {  	_ =	shalt  }
0x5b: {  	_ =	shalt  }
0x5c: {  	_ =	shalt  }
0x5d: {  	_ =	shalt  }
0x5e: {  	_ =	shalt  }
0x5f: {  	_ =	shalt  }
0x60: {  	_ =	shalt  }
0x61: {  	_ =	shalt  }
0x62: {  	_ =	shalt  }
0x63: {  	_ =	shalt  }
0x64: {  	_ =	shalt  }
0x65: {  	_ =	shalt  }
0x66: {  	_ =	shalt  }
0x67: {  	_ =	shalt  }
0x68: {  	_ =	shalt  }
0x69: {  	_ =	shalt  }
0x6a: {  	_ =	shalt  }
0x6b: {  	_ =	shalt  }
0x6c: {  	_ =	shalt  }
0x6d: {  	_ =	shalt  }
0x6e: {  	_ =	shalt  }
0x6f: {  	_ =	shalt  }
0x70: {  	_ =	shalt  }
0x71: {  	_ =	shalt  }
0x72: {  	_ =	shalt  }
0x73: {  	_ =	shalt  }
0x74: {  	_ =	shalt  }
0x75: {  	_ =	shalt  }
0x76: {  	_ =	shalt  }
0x77: {  	_ =	shalt  }
0x78: {  	_ =	shalt  }
0x79: {  	_ =	shalt  }
0x7a: {  	_ =	shalt  }
0x7b: {  	_ =	shalt  }
0x7c: {  	_ =	shalt  }
0x7d: {  	_ =	shalt  }
0x7e: {  	_ =	shalt  }
0x7f: {  	_ =	shalt  }
0x80: {  	_ =	shalt  }
0x81: {  	_ =	shalt  }
0x82: {  	_ =	shalt  }
0x83: {  	_ =	shalt  }
0x84: {  	_ =	shalt  }
0x85: {  	_ =	shalt  }
0x86: {  	_ =	shalt  }
0x87: {  	_ =	shalt  }
.Lfunc_end0:
.L_simem_size_0:
called_computation_lowered:
.L_overlay_start_0:
0x88: {  	s2 =	sld [smem:$0x3FD9]  }
0x89: {  	s3 =	sld [smem:$0x3FFE];
	_ =	sdelay $0x1  }
0x8a: {  	s1 =	srdreg.scid  }
0x8b: {  	s0 =	sand.u32 $0x1, s1  }
0x8c: {  	s18 =	sshll.u32 s0, $0xA;
	s2 =	sadd.s32 s3, s2  }
0x8d: {  	s2 =	sadd.s32 s2, s18  }
0x8e: {  	[smem:$0x3FC6] =	sst s2  }
0x8f: {  	_ = 	snop  }
0x90: {  	s2 =	sld [smem:$0x3FC9]  }
0x91: {  	s19 =	sld [smem:$0x3FC8]  }
0x92: {  	s4 =	sld [smem:$0x3FD0];
	(tm) =	ssettm $0x1  }
0x93: {  	s5 =	sld [smem:$0x3FFB];
	_ =	sdelay $0x3  }
0x94: {  	_ =	strace s5  }
0x95: {  	s5 =	sld [smem:$0x3FFC];
	_ =	sdelay $0x3  }
0x96: {  	_ =	strace s5  }
0x97: {  	s5 =	sld [smem:$0x3FFD];
	_ =	sdelay $0x3  }
0x98: {  	_ =	strace s5  }
0x99: {  	_ =	strace $0x8FFFFFFF  }
0x9a: {  	s20 =	sld [smem:$0x3FDB];
	_ =	sdelay $0x1  }
0x9b: {  	s6 =	simm.s32 $_scs_section_size  }
0x9c: {  	s7 =	simm.s32 $_size__tile_overlayer_lowered;
	s8 =	simm.s32 $_tile_overlayer_lowered  }
0x9d: {  	s23 =	simm.s32 $0x1BFF;
	s22 =	sshll.u32 s8, $0x1;
	s5 =	sadd.s32 s6, s20  }
0x9e: {  	s9 =	simm.s32 $0x0;
	s21 =	sshll.u32 s7, $0x1;
	s7 =	sadd.s32 s22, s5  }
0x9f: {  	[timem:s9], [sflag:s23] =	dma.local [hbm:s7], s21  }
0xa0: {  	_ =	swait.ge [sflag:s23], s21  }
0xa1: {  	s6 =	ssub.s32 $0x0, s21;
	[sflag:s23] =	ssyncset.done $0x0  }
0xa2: {  	[sflag:s23] =	ssyncadd.s32 s6;
	_ =	sdelay $0x1  }
0xa3: {  	s24 =	simm.s32 $0x1B8B  }
0xa4: {  	_ =	swait.ge [sflag:s24], $0x1  }
0xa5: {  	[sflag:s24] =	ssyncset.done $0x0  }
0xa6: {  	s25 =	simm.s32 $0x1B8E;
	[sflag:s24] =	ssyncadd.s32 $0xFFFFFFFF  }
0xa7: {  	s26 =	simm.s32 $execute0_lowered;
	[smem:$0x3FD2] =	sst s25  }
0xa8: {  	s6 =	sshll.u32 s26, $0x1;
	_ =	strace $0x80000046;
	[dreg:$0x1] =	wrdreg $0xFFFFFFFF  }
0xa9: {  	s28 =	simm.s32 $_size_execute0_lowered;
	s5 =	sadd.s32 s5, s6;
	[dreg:$0x0] =	wrdreg $0x0  }
0xaa: {  	s6 =	sshll.u32 s28, $0x1;
	[dreg:$0x2] =	wrdreg s5  }
0xab: {  	[dreg:$0x3] =	wrdreg s6  }
0xac: {  	[dreg:$0x4] =	wrdreg $0xC0  }
0xad: {  	_ =	task [dreg:s9], $0x5FFFF  }
0xae: {  	[dreg:$0x1] =	wrdreg $0xFFFFFFFF  }
0xaf: {  	[dreg:$0x0] =	wrdreg $0x60  }
0xb0: {  	[dreg:$0x2] =	wrdreg s19  }
0xb1: {  	[dreg:$0x3] =	wrdreg s2  }
0xb2: {  	[dreg:$0x4] =	wrdreg s4  }
0xb3: {  	[dreg:$0x5] =	wrdreg $0x9  }
0xb4: {  	_ =	task.clear_ibuf [dreg:s9], $0x6FFFF;
	_ =	strace $0x90000046  }
0xb5: {  	s29 =	simm.s32 $0x9;
	_ =	strace $0x80000048  }
0xb6: {  	_ =	swait.ge [sflag:s29], $0x1  }
0xb7: {  	[sflag:s29] =	ssyncadd.s32 $0xFFFFFFFF  }
0xb8: {  	_ =	strace $0x90000048  }
0xb9: {  	_ =	sfence  }
0xba: {  	s30 =	sld [smem:$0x0];
	_ =	sdelay $0x2  }
0xbb: {  	s31 =	sshll.u32 s1, $0xD;
	s1 =	sshrl.u32 s1, $0x2  }
0xbc: {  	s3 =	sand.u32 $0x4000, s31;
	s1 =	sadd.s32 s1, s30  }
0xbd: {  	s0 =	sor.u32 s3, s0;
	s1 =	sshll.u32 s1, $0x11  }
0xbe: {  	s0 =	sor.u32 s1, s0  }
0xbf: {  	s0 =	sadd.s32 $0x8F2B, s0  }
0xc0: {  	[sflag:s0] =	ssyncadd.remote.s32 $0x1  }
0xc1: {  	_ =	sfence.sel $0xFFFF  }
0xc2: {  	[dreg:$0x0] =	wrdreg $0xFFFFFFFF;
	(pc) =	sbr.abs _section_cstart, $3  }
0xc3: {  	[dreg:$0x1] =	wrdreg $0xFFFFFFFF  }
0xc4: {  	_ =	task.clear_ibuf [dreg:s9], $0x2FFFF;
	_ =	strace $0x9FFFFFFF  }
0xc5: {  	(tm) =	ssettm $0x7FFFFFFF  }
tec
execute0_lowered:
.L_overlay_start_1:
0x0: {  	(tag) =	ssettag $0x1  }
0x1: {  	s28 =	rddreg [dreg:$0x0]  }
0x2: {  	s0 =	rddreg [dreg:$0x1]  }
0x3: {  	s2 =	rddreg [dreg:$0x2];
	s3 =	simm.s32 $0x0  }
0x4: {  	s4 =	srdreg.scid;
	s15 =	stileid.u32;
	s1 =	simm.s32 $0x100  }
0x5: {  	s30 =	simm.s32 $0x8100;
	s29 =	simm.s32 $0xE100;
	s31 =	simm.s32 $0xE900  }
0x6: {  	[smem:$0x7FF] =	sst s3;
	s4 =	sand.u32 $0x1, s4;
	s6 =	sshll.u32 s15, $0x1  }
0x7: {  	s16 =	sshrl.u32 s15, $0x2;
	s8 =	sadd.s32 $0x400, s28;
	s9 =	sadd.s32 $0x500, s28  }
0x8: {  	s10 =	sadd.s32 $0x600, s28;
	s11 =	sadd.s32 $0x700, s28;
	s12 =	sadd.s32 $0x800, s28  }
0x9: {  	s13 =	sadd.s32 $0x900, s28;
	s14 =	sadd.s32 $0xA00, s28;
	s24 =	sand.u32 $0x3, s15  }
0xa: {  	s15 =	sadd.s32 $0xB00, s28;
	s17 =	sadd.s32 $0xD00, s28;
	_ =	strace $0x80000047  }
0xb: {  	s5 =	ssub.s32 $0x2, s4;
	s6 =	sand.u32 $0x6, s6;
	s23 =	sshll.u32 s16, $0x4  }
0xc: {  	s19 =	sshll.u32 s16, $0x17;
	s16 =	sadd.s32 $0xC00, s28;
	s7 =	sshrl.u32 s5, $0x1  }
0xd: {  	s22 =	sor.u32 s4, s6;
	s0 =	sadd.s32 s0, s23;
	s6 =	sadd.s32 $0x200, s28  }
0xe: {  	s4 =	sshll.u32 s4, $0x14;
	s23 =	simm.s32 $0x1;
	s20 =	ssub.s32 s5, s7  }
0xf: {  	s18 =	sshll.u32 s22, $0x14;
	s5 =	sshll.u32 s22, $0x7;
	s7 =	sadd.s32 $0x300, s28  }
0x10: {  	s0 =	sadd.s32 s5, s0;
	s5 =	sadd.s32 $0x100, s28;
	s26 =	smax.u32 s20, $0x1  }
0x11: {  	s20 =	simm.s32 $0x4;
	[dreg:$0x6] =	wrdreg s0;
	s0 =	sshll.u32 s24, $0x15  }
0x12: {  	[dreg:$0x9] =	wrdreg s26;
	s0 =	sor.u32 s0, s19;
	s19 =	sor.u32 s19, s18  }
0x13: {  	s24 =	simm.s32 $0x3;
	s26 =	simm.s32 $0xD900;
	s25 =	sshrl.u32 s19, $0x3  }
0x14: {  	s18 =	sadd.s32 $0xE00, s28;
	s0 =	sor.u32 s4, s0;
	s4 =	sadd.s32 s25, s2  }
0x15: {  	s19 =	sadd.s32 $0xF00, s28;
	s21 =	sor.u32 $0x8000, s0;
	s22 =	sadd.s32 $0x1E000, s4  }
0x16: {  	s0 =	sshrl.u32 s0, $0x3;
	s4 =	sadd.s32 $0x1F000, s4;
	[dreg:$0x7] =	wrdreg s22  }
0x17: {  	v0 =	vlaneseq.u32;
	s21 =	sshrl.u32 s21, $0x3;
	s0 =	sadd.s32 s0, s2;
	[dreg:$0x8] =	wrdreg s4  }
0x18: {  	v1 =	vshrl.u32 v0, $0x3;
	s21 =	sadd.s32 s21, s2;
	[dreg:$0x5] =	wrdreg s0;
	s4 =	simm.s32 $0x2  }
0x19: {  	vm0 =	vmmov $0xffff;
	v0 =	vand.u32 $0x7, v0;
	v1 =	vmul.u32 $0x8, v1;
	s0 =	simm.s32 $0x0;
	s2 =	simm.s32 $0xF900;
	[dreg:$0x4] =	wrdreg s21  }
.LBB2_1:
0x1a: {  	s21 =	rddreg [dreg:$0x6];
	s22 =	simm.s32 $0x80;
	s25 =	simm.s32 $0x200  }
0x1b: {  	[tilespmem:s3], [sflag:$0x5] =	stream.strided.gather [hbm4b:s21+s22], $0x100, s25, s22, $0x38;
	[tilespmem:$0x10100] =	vst v63  }
0x1c: {  	[dreg:$0xa] =	wrdreg s0;
	s22 =	simm.s32 $0x5  }
0x1d: {  	_ =	swait.ge [sflag:s22], $0x100  }
0x1e: {  	[sflag:s22] =	ssyncset.done $0x0  }
0x1f: {  	[sflag:s22] =	ssyncadd.s32 $0xFFFFFF00  }
0x20: {  	v2 =	vld.msk [tilespmem:$0x0], $0xff;
	_ =	sdelay $0x4  }
0x21: {  	v3 =	vshll.u32 v2, $0x5  }
0x22: {  	v2 =	vand.u32 $0x7, v2;
	v3 =	vand.u32 $0xFFFFFF00, v3  }
0x23: {  	v2 =	vor.u32 v2, v3  }
0x24: {  	v2 =	vperm.xlane v2, v0;
	_ =	sdelay $0x1  }
0x25: {  	v2 =	vadd.s32 v1, v2;
	_ =	sdelay $0x4  }
0x26: {  	[tilespmem:s1], [sflag:$0x1] =	stream.indirect_vreg.gather [hbm4b:s28+s3], $0x80, v2, vm0, $0xb8;
	[tilespmem:$0x10100] =	vst v63  }
0x27: {  	s25 =	simm.s32 $0x900  }
0x28: {  	[tilespmem:s25], [sflag:$0x1] =	stream.indirect_vreg.gather [hbm4b:s5+s3], $0x80, v2, vm0, $0xb8;
	[tilespmem:$0x10100] =	vst v63  }
0x29: {  	s1 =	simm.s32 $0x1100  }
0x2a: {  	[tilespmem:s1], [sflag:$0x1] =	stream.indirect_vreg.gather [hbm4b:s6+s3], $0x80, v2, vm0, $0xb8;
	[tilespmem:$0x10100] =	vst v63  }
0x2b: {  	s21 =	simm.s32 $0x1900  }
0x2c: {  	[tilespmem:s21], [sflag:$0x1] =	stream.indirect_vreg.gather [hbm4b:s7+s3], $0x80, v2, vm0, $0xb8;
	[tilespmem:$0x10100] =	vst v63  }
0x2d: {  	s22 =	simm.s32 $0x2100  }
0x2e: {  	[tilespmem:s22], [sflag:$0x1] =	stream.indirect_vreg.gather [hbm4b:s8+s3], $0x80, v2, vm0, $0xb8;
	[tilespmem:$0x10100] =	vst v63  }
0x2f: {  	s25 =	simm.s32 $0x2900  }
0x30: {  	[tilespmem:s25], [sflag:$0x1] =	stream.indirect_vreg.gather [hbm4b:s9+s3], $0x80, v2, vm0, $0xb8;
	[tilespmem:$0x10100] =	vst v63  }
0x31: {  	s1 =	simm.s32 $0x3100  }
0x32: {  	[tilespmem:s1], [sflag:$0x1] =	stream.indirect_vreg.gather [hbm4b:s10+s3], $0x80, v2, vm0, $0xb8;
	[tilespmem:$0x10100] =	vst v63  }
0x33: {  	s21 =	simm.s32 $0x3900  }
0x34: {  	[tilespmem:s21], [sflag:$0x1] =	stream.indirect_vreg.gather [hbm4b:s11+s3], $0x80, v2, vm0, $0xb8;
	[tilespmem:$0x10100] =	vst v63  }
0x35: {  	s22 =	simm.s32 $0x4100  }
0x36: {  	[tilespmem:s22], [sflag:$0x1] =	stream.indirect_vreg.gather [hbm4b:s12+s3], $0x80, v2, vm0, $0xb8;
	[tilespmem:$0x10100] =	vst v63  }
0x37: {  	s25 =	simm.s32 $0x4900  }
0x38: {  	[tilespmem:s25], [sflag:$0x1] =	stream.indirect_vreg.gather [hbm4b:s13+s3], $0x80, v2, vm0, $0xb8;
	[tilespmem:$0x10100] =	vst v63  }
0x39: {  	s1 =	simm.s32 $0x5100  }
0x3a: {  	[tilespmem:s1], [sflag:$0x1] =	stream.indirect_vreg.gather [hbm4b:s14+s3], $0x80, v2, vm0, $0xb8;
	[tilespmem:$0x10100] =	vst v63  }
0x3b: {  	s21 =	simm.s32 $0x5900  }
0x3c: {  	[tilespmem:s21], [sflag:$0x1] =	stream.indirect_vreg.gather [hbm4b:s15+s3], $0x80, v2, vm0, $0xb8;
	[tilespmem:$0x10100] =	vst v63  }
0x3d: {  	s22 =	simm.s32 $0x6100  }
0x3e: {  	[tilespmem:s22], [sflag:$0x1] =	stream.indirect_vreg.gather [hbm4b:s16+s3], $0x80, v2, vm0, $0xb8;
	[tilespmem:$0x10100] =	vst v63  }
0x3f: {  	s25 =	simm.s32 $0x6900  }
0x40: {  	[tilespmem:s25], [sflag:$0x1] =	stream.indirect_vreg.gather [hbm4b:s17+s3], $0x80, v2, vm0, $0xb8;
	[tilespmem:$0x10100] =	vst v63  }
0x41: {  	s1 =	simm.s32 $0x7100  }
0x42: {  	[tilespmem:s1], [sflag:$0x1] =	stream.indirect_vreg.gather [hbm4b:s18+s3], $0x80, v2, vm0, $0xb8;
	[tilespmem:$0x10100] =	vst v63  }
0x43: {  	s21 =	simm.s32 $0x7900  }
0x44: {  	[tilespmem:s21], [sflag:$0x1] =	stream.indirect_vreg.gather [hbm4b:s19+s3], $0x80, v2, vm0, $0xb8;
	[tilespmem:$0x10100] =	vst v63  }
0x45: {  	v2 =	vld.msk [tilespmem:$0x8], $0xff;
	_ =	sdelay $0x4  }
0x46: {  	v3 =	vshll.u32 v2, $0x5  }
0x47: {  	v2 =	vand.u32 $0x7, v2;
	v3 =	vand.u32 $0xFFFFFF00, v3  }
0x48: {  	v2 =	vor.u32 v2, v3  }
0x49: {  	v2 =	vperm.xlane v2, v0;
	_ =	sdelay $0x1  }
0x4a: {  	v2 =	vadd.s32 v1, v2;
	_ =	sdelay $0x4  }
0x4b: {  	[tilespmem:s30], [sflag:$0x2] =	stream.indirect_vreg.gather [hbm4b:s28+s3], $0x80, v2, vm0, $0xb8;
	[tilespmem:$0x10100] =	vst v63  }
0x4c: {  	s22 =	simm.s32 $0x8900  }
0x4d: {  	[tilespmem:s22], [sflag:$0x2] =	stream.indirect_vreg.gather [hbm4b:s5+s3], $0x80, v2, vm0, $0xb8;
	[tilespmem:$0x10100] =	vst v63  }
0x4e: {  	s25 =	simm.s32 $0x9100  }
0x4f: {  	[tilespmem:s25], [sflag:$0x2] =	stream.indirect_vreg.gather [hbm4b:s6+s3], $0x80, v2, vm0, $0xb8;
	[tilespmem:$0x10100] =	vst v63  }
0x50: {  	s1 =	simm.s32 $0x9900  }
0x51: {  	[tilespmem:s1], [sflag:$0x2] =	stream.indirect_vreg.gather [hbm4b:s7+s3], $0x80, v2, vm0, $0xb8;
	[tilespmem:$0x10100] =	vst v63  }
0x52: {  	s21 =	simm.s32 $0xA100  }
0x53: {  	[tilespmem:s21], [sflag:$0x2] =	stream.indirect_vreg.gather [hbm4b:s8+s3], $0x80, v2, vm0, $0xb8;
	[tilespmem:$0x10100] =	vst v63  }
0x54: {  	s22 =	simm.s32 $0xA900  }
0x55: {  	[tilespmem:s22], [sflag:$0x2] =	stream.indirect_vreg.gather [hbm4b:s9+s3], $0x80, v2, vm0, $0xb8;
	[tilespmem:$0x10100] =	vst v63  }
0x56: {  	s25 =	simm.s32 $0xB100  }
0x57: {  	[tilespmem:s25], [sflag:$0x2] =	stream.indirect_vreg.gather [hbm4b:s10+s3], $0x80, v2, vm0, $0xb8;
	[tilespmem:$0x10100] =	vst v63  }
0x58: {  	s1 =	simm.s32 $0xB900  }
0x59: {  	[tilespmem:s1], [sflag:$0x2] =	stream.indirect_vreg.gather [hbm4b:s11+s3], $0x80, v2, vm0, $0xb8;
	[tilespmem:$0x10100] =	vst v63  }
0x5a: {  	s21 =	simm.s32 $0xC100  }
0x5b: {  	[tilespmem:s21], [sflag:$0x2] =	stream.indirect_vreg.gather [hbm4b:s12+s3], $0x80, v2, vm0, $0xb8;
	[tilespmem:$0x10100] =	vst v63  }
0x5c: {  	s22 =	simm.s32 $0xC900  }
0x5d: {  	[tilespmem:s22], [sflag:$0x2] =	stream.indirect_vreg.gather [hbm4b:s13+s3], $0x80, v2, vm0, $0xb8;
	[tilespmem:$0x10100] =	vst v63  }
0x5e: {  	s25 =	simm.s32 $0xD100  }
0x5f: {  	[tilespmem:s25], [sflag:$0x2] =	stream.indirect_vreg.gather [hbm4b:s14+s3], $0x80, v2, vm0, $0xb8;
	[tilespmem:$0x10100] =	vst v63  }
0x60: {  	_ = 	snop  }
0x61: {  	[tilespmem:s26], [sflag:$0x2] =	stream.indirect_vreg.gather [hbm4b:s15+s3], $0x80, v2, vm0, $0xb8;
	[tilespmem:$0x10100] =	vst v63  }
0x62: {  	_ = 	snop  }
0x63: {  	[tilespmem:s29], [sflag:$0x2] =	stream.indirect_vreg.gather [hbm4b:s16+s3], $0x80, v2, vm0, $0xb8;
	[tilespmem:$0x10100] =	vst v63  }
0x64: {  	_ = 	snop  }
0x65: {  	[tilespmem:s31], [sflag:$0x2] =	stream.indirect_vreg.gather [hbm4b:s17+s3], $0x80, v2, vm0, $0xb8;
	[tilespmem:$0x10100] =	vst v63  }
0x66: {  	s0 =	simm.s32 $0xF100  }
0x67: {  	[tilespmem:s0], [sflag:$0x2] =	stream.indirect_vreg.gather [hbm4b:s18+s3], $0x80, v2, vm0, $0xb8;
	[tilespmem:$0x10100] =	vst v63  }
0x68: {  	s21 =	simm.s32 $0x18;
	s22 =	simm.s32 $0x0  }
0x69: {  	[tilespmem:s2], [sflag:$0x2] =	stream.indirect_vreg.gather [hbm4b:s19+s3], $0x80, v2, vm0, $0xb8;
	[tilespmem:$0x10100] =	vst v63  }
.LBB2_2:
0x6a: {  	_ =	swait.ge [sflag:s23], $0x8000  }
0x6b: {  	s25 =	rddreg [dreg:$0x5];
	[sflag:s23] =	ssyncset.done $0x0  }
0x6c: {  	s29 =	simm.s32 $0x100;
	[sflag:s23] =	ssyncadd.s32 $0xFFFF8000;
	s25 =	sadd.s32 s22, s25  }
0x6d: {  	[hbm4b:s25+s3] =	stream.linear.scatter [tilespmem:s29], [sflag:$0x3], $0x8000, $0x38;
	[tilespmem:$0x10100] =	vst v63  }
0x6e: {  	_ =	swait.ge [sflag:s24], $0x8000  }
0x6f: {  	[sflag:s24] =	ssyncset.done $0x0  }
0x70: {  	[sflag:s24] =	ssyncadd.s32 $0xFFFF8000  }
0x71: {  	v2 =	vld.msk [tilespmem:s21+$0xFFFFFFF8], $0xff;
	_ =	sdelay $0x4  }
0x72: {  	v3 =	vshll.u32 v2, $0x5  }
0x73: {  	v2 =	vand.u32 $0x7, v2;
	v3 =	vand.u32 $0xFFFFFF00, v3  }
0x74: {  	v2 =	vor.u32 v2, v3  }
0x75: {  	v2 =	vperm.xlane v2, v0;
	_ =	sdelay $0x1  }
0x76: {  	v2 =	vadd.s32 v1, v2;
	_ =	sdelay $0x4  }
0x77: {  	[tilespmem:s29], [sflag:$0x1] =	stream.indirect_vreg.gather [hbm4b:s28+s3], $0x80, v2, vm0, $0xb8;
	[tilespmem:$0x10100] =	vst v63  }
0x78: {  	s25 =	simm.s32 $0x900  }
0x79: {  	[tilespmem:s25], [sflag:$0x1] =	stream.indirect_vreg.gather [hbm4b:s5+s3], $0x80, v2, vm0, $0xb8;
	[tilespmem:$0x10100] =	vst v63  }
0x7a: {  	s25 =	simm.s32 $0x1100  }
0x7b: {  	[tilespmem:s25], [sflag:$0x1] =	stream.indirect_vreg.gather [hbm4b:s6+s3], $0x80, v2, vm0, $0xb8;
	[tilespmem:$0x10100] =	vst v63  }
0x7c: {  	s25 =	simm.s32 $0x1900  }
0x7d: {  	[tilespmem:s25], [sflag:$0x1] =	stream.indirect_vreg.gather [hbm4b:s7+s3], $0x80, v2, vm0, $0xb8;
	[tilespmem:$0x10100] =	vst v63  }
0x7e: {  	s25 =	simm.s32 $0x2100  }
0x7f: {  	[tilespmem:s25], [sflag:$0x1] =	stream.indirect_vreg.gather [hbm4b:s8+s3], $0x80, v2, vm0, $0xb8;
	[tilespmem:$0x10100] =	vst v63  }
0x80: {  	s25 =	simm.s32 $0x2900  }
0x81: {  	[tilespmem:s25], [sflag:$0x1] =	stream.indirect_vreg.gather [hbm4b:s9+s3], $0x80, v2, vm0, $0xb8;
	[tilespmem:$0x10100] =	vst v63  }
0x82: {  	s25 =	simm.s32 $0x3100  }
0x83: {  	[tilespmem:s25], [sflag:$0x1] =	stream.indirect_vreg.gather [hbm4b:s10+s3], $0x80, v2, vm0, $0xb8;
	[tilespmem:$0x10100] =	vst v63  }
0x84: {  	s25 =	simm.s32 $0x3900  }
0x85: {  	[tilespmem:s25], [sflag:$0x1] =	stream.indirect_vreg.gather [hbm4b:s11+s3], $0x80, v2, vm0, $0xb8;
	[tilespmem:$0x10100] =	vst v63  }
0x86: {  	s25 =	simm.s32 $0x4100  }
0x87: {  	[tilespmem:s25], [sflag:$0x1] =	stream.indirect_vreg.gather [hbm4b:s12+s3], $0x80, v2, vm0, $0xb8;
	[tilespmem:$0x10100] =	vst v63  }
0x88: {  	s25 =	simm.s32 $0x4900  }
0x89: {  	[tilespmem:s25], [sflag:$0x1] =	stream.indirect_vreg.gather [hbm4b:s13+s3], $0x80, v2, vm0, $0xb8;
	[tilespmem:$0x10100] =	vst v63  }
0x8a: {  	s25 =	simm.s32 $0x5100  }
0x8b: {  	[tilespmem:s25], [sflag:$0x1] =	stream.indirect_vreg.gather [hbm4b:s14+s3], $0x80, v2, vm0, $0xb8;
	[tilespmem:$0x10100] =	vst v63  }
0x8c: {  	s25 =	simm.s32 $0x5900  }
0x8d: {  	[tilespmem:s25], [sflag:$0x1] =	stream.indirect_vreg.gather [hbm4b:s15+s3], $0x80, v2, vm0, $0xb8;
	[tilespmem:$0x10100] =	vst v63  }
0x8e: {  	s25 =	simm.s32 $0x6100  }
0x8f: {  	[tilespmem:s25], [sflag:$0x1] =	stream.indirect_vreg.gather [hbm4b:s16+s3], $0x80, v2, vm0, $0xb8;
	[tilespmem:$0x10100] =	vst v63  }
0x90: {  	s25 =	simm.s32 $0x6900  }
0x91: {  	[tilespmem:s25], [sflag:$0x1] =	stream.indirect_vreg.gather [hbm4b:s17+s3], $0x80, v2, vm0, $0xb8;
	[tilespmem:$0x10100] =	vst v63  }
0x92: {  	s25 =	simm.s32 $0x7100  }
0x93: {  	[tilespmem:s25], [sflag:$0x1] =	stream.indirect_vreg.gather [hbm4b:s18+s3], $0x80, v2, vm0, $0xb8;
	[tilespmem:$0x10100] =	vst v63  }
0x94: {  	s25 =	simm.s32 $0x7900  }
0x95: {  	[tilespmem:s25], [sflag:$0x1] =	stream.indirect_vreg.gather [hbm4b:s19+s3], $0x80, v2, vm0, $0xb8;
	[tilespmem:$0x10100] =	vst v63  }
0x96: {  	_ =	swait.ge [sflag:s4], $0x8000  }
0x97: {  	s25 =	rddreg [dreg:$0x4];
	[sflag:s4] =	ssyncset.done $0x0  }
0x98: {  	[sflag:s4] =	ssyncadd.s32 $0xFFFF8000;
	s25 =	sadd.s32 s22, s25  }
0x99: {  	[hbm4b:s25+s3] =	stream.linear.scatter [tilespmem:s30], [sflag:$0x4], $0x8000, $0x38;
	[tilespmem:$0x10100] =	vst v63  }
0x9a: {  	_ =	swait.ge [sflag:s20], $0x8000  }
0x9b: {  	[sflag:s20] =	ssyncset.done $0x0  }
0x9c: {  	[sflag:s20] =	ssyncadd.s32 $0xFFFF8000  }
0x9d: {  	v2 =	vld.msk [tilespmem:s21+$0x0], $0xff;
	_ =	sdelay $0x4  }
0x9e: {  	v3 =	vshll.u32 v2, $0x5  }
0x9f: {  	v2 =	vand.u32 $0x7, v2;
	v3 =	vand.u32 $0xFFFFFF00, v3  }
0xa0: {  	v2 =	vor.u32 v2, v3  }
0xa1: {  	v2 =	vperm.xlane v2, v0;
	_ =	sdelay $0x1  }
0xa2: {  	v2 =	vadd.s32 v1, v2;
	_ =	sdelay $0x4  }
0xa3: {  	[tilespmem:s30], [sflag:$0x2] =	stream.indirect_vreg.gather [hbm4b:s28+s3], $0x80, v2, vm0, $0xb8;
	[tilespmem:$0x10100] =	vst v63  }
0xa4: {  	s25 =	simm.s32 $0x8900  }
0xa5: {  	[tilespmem:s25], [sflag:$0x2] =	stream.indirect_vreg.gather [hbm4b:s5+s3], $0x80, v2, vm0, $0xb8;
	[tilespmem:$0x10100] =	vst v63  }
0xa6: {  	s25 =	simm.s32 $0x9100  }
0xa7: {  	[tilespmem:s25], [sflag:$0x2] =	stream.indirect_vreg.gather [hbm4b:s6+s3], $0x80, v2, vm0, $0xb8;
	[tilespmem:$0x10100] =	vst v63  }
0xa8: {  	s25 =	simm.s32 $0x9900  }
0xa9: {  	[tilespmem:s25], [sflag:$0x2] =	stream.indirect_vreg.gather [hbm4b:s7+s3], $0x80, v2, vm0, $0xb8;
	[tilespmem:$0x10100] =	vst v63  }
0xaa: {  	s25 =	simm.s32 $0xA100  }
0xab: {  	[tilespmem:s25], [sflag:$0x2] =	stream.indirect_vreg.gather [hbm4b:s8+s3], $0x80, v2, vm0, $0xb8;
	[tilespmem:$0x10100] =	vst v63  }
0xac: {  	s25 =	simm.s32 $0xA900  }
0xad: {  	[tilespmem:s25], [sflag:$0x2] =	stream.indirect_vreg.gather [hbm4b:s9+s3], $0x80, v2, vm0, $0xb8;
	[tilespmem:$0x10100] =	vst v63  }
0xae: {  	s25 =	simm.s32 $0xB100  }
0xaf: {  	[tilespmem:s25], [sflag:$0x2] =	stream.indirect_vreg.gather [hbm4b:s10+s3], $0x80, v2, vm0, $0xb8;
	[tilespmem:$0x10100] =	vst v63  }
0xb0: {  	s25 =	simm.s32 $0xB900  }
0xb1: {  	[tilespmem:s25], [sflag:$0x2] =	stream.indirect_vreg.gather [hbm4b:s11+s3], $0x80, v2, vm0, $0xb8;
	[tilespmem:$0x10100] =	vst v63  }
0xb2: {  	s25 =	simm.s32 $0xC100  }
0xb3: {  	[tilespmem:s25], [sflag:$0x2] =	stream.indirect_vreg.gather [hbm4b:s12+s3], $0x80, v2, vm0, $0xb8;
	[tilespmem:$0x10100] =	vst v63  }
0xb4: {  	s25 =	simm.s32 $0xC900  }
0xb5: {  	[tilespmem:s25], [sflag:$0x2] =	stream.indirect_vreg.gather [hbm4b:s13+s3], $0x80, v2, vm0, $0xb8;
	[tilespmem:$0x10100] =	vst v63  }
0xb6: {  	s25 =	simm.s32 $0xD100  }
0xb7: {  	[tilespmem:s25], [sflag:$0x2] =	stream.indirect_vreg.gather [hbm4b:s14+s3], $0x80, v2, vm0, $0xb8;
	[tilespmem:$0x10100] =	vst v63  }
0xb8: {  	_ = 	snop  }
0xb9: {  	[tilespmem:s26], [sflag:$0x2] =	stream.indirect_vreg.gather [hbm4b:s15+s3], $0x80, v2, vm0, $0xb8;
	[tilespmem:$0x10100] =	vst v63  }
0xba: {  	s29 =	simm.s32 $0xE100  }
0xbb: {  	[tilespmem:s29], [sflag:$0x2] =	stream.indirect_vreg.gather [hbm4b:s16+s3], $0x80, v2, vm0, $0xb8;
	[tilespmem:$0x10100] =	vst v63  }
0xbc: {  	p0 =	sne.s32 s22, $0x1C000  }
0xbd: {  	[tilespmem:s31], [sflag:$0x2] =	stream.indirect_vreg.gather [hbm4b:s17+s3], $0x80, v2, vm0, $0xb8;
	[tilespmem:$0x10100] =	vst v63  }
.Ltmp0:
0xbe: {  	_ = 	snop;
	(pc) =	sbr.rel @p0 .LBB2_2-.Ltmp0, $4  }
0xbf: {  	_ = 	snop  }
0xc0: {  	[tilespmem:s0], [sflag:$0x2] =	stream.indirect_vreg.gather [hbm4b:s18+s3], $0x80, v2, vm0, $0xb8;
	[tilespmem:$0x10100] =	vst v63  }
0xc1: {  	s1 =	simm.s32 $0x100;
	s22 =	sadd.s32 $0x2000, s22;
	s21 =	sadd.s32 $0x10, s21  }
0xc2: {  	[tilespmem:s2], [sflag:$0x2] =	stream.indirect_vreg.gather [hbm4b:s19+s3], $0x80, v2, vm0, $0xb8;
	[tilespmem:$0x10100] =	vst v63  }
0xc3: {  	_ =	swait.ge [sflag:s23], $0x8000  }
0xc4: {  	[sflag:s23] =	ssyncset.done $0x0  }
0xc5: {  	s21 =	rddreg [dreg:$0x7];
	[sflag:s23] =	ssyncadd.s32 $0xFFFF8000  }
0xc6: {  	[hbm4b:s21+s3] =	stream.linear.scatter [tilespmem:s1], [sflag:$0x3], $0x8000, $0x38;
	[tilespmem:$0x10100] =	vst v63  }
0xc7: {  	_ =	swait.ge [sflag:s24], $0x8000  }
0xc8: {  	[sflag:s24] =	ssyncset.done $0x0  }
0xc9: {  	[sflag:s24] =	ssyncadd.s32 $0xFFFF8000  }
0xca: {  	_ =	swait.ge [sflag:s4], $0x8000  }
0xcb: {  	[sflag:s4] =	ssyncset.done $0x0  }
0xcc: {  	s22 =	rddreg [dreg:$0x8];
	[sflag:s4] =	ssyncadd.s32 $0xFFFF8000  }
0xcd: {  	[hbm4b:s22+s3] =	stream.linear.scatter [tilespmem:s30], [sflag:$0x4], $0x8000, $0x38;
	[tilespmem:$0x10100] =	vst v63  }
0xce: {  	_ =	swait.ge [sflag:s20], $0x8000  }
0xcf: {  	s0 =	rddreg [dreg:$0xa]  }
0xd0: {  	s25 =	rddreg [dreg:$0x9];
	s0 =	sadd.s32 $0x1, s0  }
0xd1: {  	p0 =	sne.s32 s0, s25  }
.Ltmp1:
0xd2: {  	_ = 	snop;
	(pc) =	sbr.rel @p0 .LBB2_1-.Ltmp1, $3  }
0xd3: {  	_ =	sdelay $0x1  }
0xd4: {  	[sflag:s20] =	ssyncset.done $0x0  }
0xd5: {  	[sflag:s20] =	ssyncadd.s32 $0xFFFF8000  }
0xd6: {  	_ =	sfence.sel $0x180000  }
0xd7: {  	[bflag:$0x0] =	sbarrier.arrive $0xFFFF  }
0xd8: {  	_ =	strace $0x90000047  }
0xd9: {  	s0 =	stileid.u32;
	[bflag:$0x2] =	sbarrier.arrive $0xFFFF  }
0xda: {  	p0 =	sne.s32 s0, $0x0;
	s0 =	rddreg [dreg:$0x3]  }
0xdb: {  	s0 =	sadd.s32 @!p0 $0x100000, s0  }
0xdc: {  	[sflag:s0] =	ssyncadd.tile.s32 @!p0 $0x1;
	_ =	shalt  }
.Lfunc_end2:
_tile_overlayer_lowered:
.L_overlay_start_2:
0xdd: {  	(tag) =	ssettag $0x2  }
0xde: {  	s0 =	rddreg [dreg:$0x0];
	s2 =	stileid.u32  }
0xdf: {  	s1 =	rddreg [dreg:$0x1];
	p0 =	sne.s32 s2, $0x0  }
0xe0: {  	s3 =	rddreg [dreg:$0x2];
	[bflag:$0x3] =	sbarrier.arrive $0xFFFF;
	s2 =	simm.s32 @!p0 $0x1C05  }
0xe1: {  	[timem:s3], [sflag:s2] =	dma.local @!p0 [hbm:s0], s1  }
0xe2: {  	s0 =	simm.s32 @!p0 $0x5  }
0xe3: {  	_ =	swait.ge @!p0 [sflag:s0], s1  }
0xe4: {  	s1 =	ssub.s32 @!p0 $0x0, s1;
	[sflag:s0] =	ssyncset.done @!p0 $0x0  }
0xe5: {  	[sflag:s0] =	ssyncadd.s32 @!p0 s1  }
0xe6: {  	[bflag:$0x3] =	sbarrier.arrive $0xFFFF  }
0xe7: {  	_ =	shalt  }

</sc_bundles>
